<compile_context>
chip_gen: v7x
topology: tpu7x:2x2x1
jax: 0.10.2.dev20260603
libtpu: 0.0.44.dev20260713+nightly
codegen_flags: <defaults>
</compile_context>

<pallas_src>
import functools

import jax
import jax.numpy as jnp
from jax import lax
from jax.experimental import pallas as pl
from jax.experimental.pallas import tpu as pltpu
from jax.experimental.pallas import tpu_sc as plsc

_VOCAB = 100000
_D = 2048
_B = 4
_S = 4096

_NC = 2
_NS = 16
_NW = _NC * _NS
_POS_PER_W = _S // _NW
_K = 16
_NCHUNK = _POS_PER_W // _K
_LANES = 16
_VECS_PER_ROW = _D // _LANES


def _emb_body(x_hbm, table_hbm, pe_hbm, out_hbm, idx_v, pe_v, rows_v, sem):
    wid = lax.axis_index("s") * _NC + lax.axis_index("c")
    s0 = wid * _POS_PER_W

    def chunk_body(j, carry):
        sbase = s0 + j * _K
        pltpu.sync_copy(pe_hbm.at[pl.ds(sbase, _K), :], pe_v)

        def batch_body(b, carry2):
            flat0 = b * _S + sbase
            pltpu.sync_copy(x_hbm.at[pl.ds(flat0, _K)], idx_v)
            pltpu.async_copy(table_hbm.at[idx_v], rows_v, sem).wait()

            def add_body(i, carry3):
                for r in range(_K):
                    v = pe_v[r, pl.ds(i * _LANES, _LANES)]
                    plsc.addupdate(rows_v.at[r, pl.ds(i * _LANES, _LANES)], v)
                return carry3

            lax.fori_loop(0, _VECS_PER_ROW, add_body, 0)
            pltpu.sync_copy(rows_v, out_hbm.at[pl.ds(flat0, _K), :])
            return carry2

        lax.fori_loop(0, _B, batch_body, 0)
        return carry

    lax.fori_loop(0, _NCHUNK, chunk_body, 0)


@jax.jit
def kernel(x, table, pe):
    x_flat = x.reshape(-1)
    emb = pl.kernel(
        _emb_body,
        out_type=jax.ShapeDtypeStruct((_B * _S, _D), jnp.float32),
        mesh=plsc.VectorSubcoreMesh(core_axis_name="c", subcore_axis_name="s"),
        scratch_types=[
            pltpu.VMEM((_K,), jnp.int32),
            pltpu.VMEM((_K, _D), jnp.float32),
            pltpu.VMEM((_K, _D), jnp.float32),
            pltpu.SemaphoreType.DMA,
        ],
    )
    out = emb(x_flat, table, pe)
    return out.reshape(_B, _S, _D)

# --- scband reference (transcript-rebuilt; emitter-appended) ---
"""Pipeline reference for scband-transformer-embedding-34351148434234 (READ-ONLY COPY).

The authoritative reference and input builder live on the scoring server;
editing this copy changes nothing except your own understanding.
"""

import jax, jax.numpy as jnp
import numpy as np

VOCAB = 100000
D_MODEL = 2048
MAX_LEN = 8192
BATCH = 4
SEQ = 4096
PAD_IDX = 0


def make_pe(d_model, max_len):
    pos = np.arange(max_len, dtype=np.float32)[:, None]
    i = np.arange(0, d_model, 2, dtype=np.float32)
    div = np.power(10000.0, i / d_model)
    pe = np.zeros((max_len, d_model), dtype=np.float32)
    pe[:, 0::2] = np.sin(pos / div)
    pe[:, 1::2] = np.cos(pos / div)
    return jnp.asarray(pe)


def setup_inputs(seed: int = 0) -> dict:
    key = jax.random.key(seed)
    k1, k2 = jax.random.split(key)
    x = jax.random.randint(k1, (BATCH, SEQ), 0, VOCAB, dtype=jnp.int32)
    table = jax.random.normal(k2, (VOCAB, D_MODEL), dtype=jnp.float32)
    # padding_idx row is zeroed in nn.Embedding
    table = table.at[PAD_IDX].set(0.0)
    pe = make_pe(D_MODEL, MAX_LEN)
    return {"x": x, "table": table, "pe": pe}


def reference(x, table, pe):
    # token embedding lookup (gather)
    tok_emb = jnp.take(table, x, axis=0)  # [B, S, D]
    # positional encoding buffer sliced to seq_len
    pos_emb = pe[: x.shape[1]]  # [S, D]
    out = tok_emb + pos_emb[None, :, :]
    # dropout with p=0.0 is identity
    return out

if __name__ == "__main__":
    import jax
    _d = setup_inputs()
    print(jax.jit(kernel)(*tuple(_d.values())))

</pallas_src>

<mosaic_0001>
#map = affine_map<(d0, d1) -> (0)>
#map1 = affine_map<(d0, d1) -> (0, 0)>
module attributes {stable_mosaic.version = 14 : i64} {
  func.func @_emb_body(%arg0: i32, %arg1: i32, %arg2: memref<16384xi32, #tpu.memory_space<hbm>>, %arg3: memref<100000x2048xf32, #tpu.memory_space<hbm>>, %arg4: memref<8192x2048xf32, #tpu.memory_space<hbm>>, %arg5: memref<16384x2048xf32, #tpu.memory_space<hbm>>, %arg6: memref<16xi32, #tpu.memory_space<vmem>>, %arg7: memref<16x2048xf32, #tpu.memory_space<vmem>>, %arg8: memref<16x2048xf32, #tpu.memory_space<vmem>>, %arg9: memref<!tpu.dma_semaphore, #tpu.memory_space<semaphore_mem>>) attributes {dimension_semantics = [#tpu.dimension_semantics<core_parallel>, #tpu.dimension_semantics<subcore_parallel>], iteration_bounds = array<i64: 2, 16>, scalar_prefetch = 0 : i64, scratch_operands = 4 : i64, tpu.core_type = #tpu.core_type<sc_vector_subcore>, window_params = [{transform_indices = #map}, {transform_indices = #map1}, {transform_indices = #map1}, {transform_indices = #map1}]} {
    %mul3A = arith.constant 2 : i32
    %mul3A_0 = arith.muli %arg1, %mul3A : i32
    %add3A = arith.addi %mul3A_0, %arg0 : i32
    %mul3A_1 = arith.constant 128 : i32
    %mul3A_2 = arith.muli %add3A, %mul3A_1 : i32
    %scan3A = arith.constant 0 : i32
    %scan3A_3 = arith.constant 0 : i32
    %scan3A_4 = arith.constant 8 : i32
    %scan3A_5 = arith.addi %scan3A_3, %scan3A_4 : i32
    %scan3A_6 = arith.constant 1 : i32
    scf.for %scan3A_8 = %scan3A_3 to %scan3A_5 step %scan3A_6  : i32 {
      %mul3A_9 = arith.constant 16 : i32
      %mul3A_10 = arith.muli %scan3A_8, %mul3A_9 : i32
      %add3A_11 = arith.addi %mul3A_2, %mul3A_10 : i32
      "tpu.region"() ({
        %run_scoped3A = tpu.sem_alloc : memref<!tpu.dma_semaphore, #tpu.memory_space<semaphore_mem>>
        %dma_start3A = arith.constant 0 : i32
        %dma_start3A_18 = tpu.memref_slice %arg4[%add3A_11, %dma_start3A] : memref<8192x2048xf32, #tpu.memory_space<hbm>> -> memref<16x2048xf32, #tpu.memory_space<hbm>>
        %dma_start3A_19 = arith.constant 0 : i32
        %dma_start3A_20 = tpu.memref_slice %arg4[%add3A_11, %dma_start3A_19] : memref<8192x2048xf32, #tpu.memory_space<hbm>> -> memref<16x2048xf32, #tpu.memory_space<hbm>>
        tpu.enqueue_dma source(%dma_start3A_20 : memref<16x2048xf32, #tpu.memory_space<hbm>>) target(%arg7 : memref<16x2048xf32, #tpu.memory_space<vmem>>) target_semaphore(%run_scoped3A : memref<!tpu.dma_semaphore, #tpu.memory_space<semaphore_mem>>)
        %dma_wait3A = arith.constant 0 : i32
        %dma_wait3A_21 = tpu.memref_slice %arg4[%add3A_11, %dma_wait3A] : memref<8192x2048xf32, #tpu.memory_space<hbm>> -> memref<16x2048xf32, #tpu.memory_space<hbm>>
        %dma_wait3A_22 = arith.constant 0 : i32
        %dma_wait3A_23 = tpu.memref_slice %arg4[%add3A_11, %dma_wait3A_22] : memref<8192x2048xf32, #tpu.memory_space<hbm>> -> memref<16x2048xf32, #tpu.memory_space<hbm>>
        tpu.wait_dma2 semaphore(%run_scoped3A : memref<!tpu.dma_semaphore, #tpu.memory_space<semaphore_mem>>) src(%dma_wait3A_23 : memref<16x2048xf32, #tpu.memory_space<hbm>>) dst(%arg7 : memref<16x2048xf32, #tpu.memory_space<vmem>>)
        tpu.yield
      }) : () -> ()
      %scan3A_12 = arith.constant 0 : i32
      %scan3A_13 = arith.constant 0 : i32
      %scan3A_14 = arith.constant 4 : i32
      %scan3A_15 = arith.addi %scan3A_13, %scan3A_14 : i32
      %scan3A_16 = arith.constant 1 : i32
      scf.for %scan3A_18 = %scan3A_13 to %scan3A_15 step %scan3A_16  : i32 {
        %mul3A_19 = arith.constant 4096 : i32
        %mul3A_20 = arith.muli %scan3A_18, %mul3A_19 : i32
        %add3A_21 = arith.addi %mul3A_20, %add3A_11 : i32
        "tpu.region"() ({
          %run_scoped3A = tpu.sem_alloc : memref<!tpu.dma_semaphore, #tpu.memory_space<semaphore_mem>>
          %dma_start3A_32 = tpu.memref_slice %arg2[%add3A_21] : memref<16384xi32, #tpu.memory_space<hbm>> -> memref<16xi32, #tpu.memory_space<hbm>>
          %dma_start3A_33 = tpu.memref_slice %arg2[%add3A_21] : memref<16384xi32, #tpu.memory_space<hbm>> -> memref<16xi32, #tpu.memory_space<hbm>>
          tpu.enqueue_dma source(%dma_start3A_33 : memref<16xi32, #tpu.memory_space<hbm>>) target(%arg6 : memref<16xi32, #tpu.memory_space<vmem>>) target_semaphore(%run_scoped3A : memref<!tpu.dma_semaphore, #tpu.memory_space<semaphore_mem>>)
          %dma_wait3A_34 = tpu.memref_slice %arg2[%add3A_21] : memref<16384xi32, #tpu.memory_space<hbm>> -> memref<16xi32, #tpu.memory_space<hbm>>
          %dma_wait3A_35 = tpu.memref_slice %arg2[%add3A_21] : memref<16384xi32, #tpu.memory_space<hbm>> -> memref<16xi32, #tpu.memory_space<hbm>>
          tpu.wait_dma2 semaphore(%run_scoped3A : memref<!tpu.dma_semaphore, #tpu.memory_space<semaphore_mem>>) src(%dma_wait3A_35 : memref<16xi32, #tpu.memory_space<hbm>>) dst(%arg6 : memref<16xi32, #tpu.memory_space<vmem>>)
          tpu.yield
        }) : () -> ()
        %dma_start3A = arith.constant 0 : i32
        %dma_start3A_22 = arith.constant 0 : i32
        %dma_start3A_23 = tpu.memref_slice %arg3[%dma_start3A, %dma_start3A_22] : memref<100000x2048xf32, #tpu.memory_space<hbm>> -> memref<100000x2048xf32, #tpu.memory_space<hbm>>
        tpu.enqueue_indirect_dma source(%dma_start3A_23 : memref<100000x2048xf32, #tpu.memory_space<hbm>>) target(%arg8 : memref<16x2048xf32, #tpu.memory_space<vmem>>) offsets(%arg6 : memref<16xi32, #tpu.memory_space<vmem>>) semaphore(%arg9 : memref<!tpu.dma_semaphore, #tpu.memory_space<semaphore_mem>>)
        %dma_wait3A = arith.constant 0 : i32
        %dma_wait3A_24 = arith.constant 0 : i32
        %dma_wait3A_25 = tpu.memref_slice %arg3[%dma_wait3A, %dma_wait3A_24] : memref<100000x2048xf32, #tpu.memory_space<hbm>> -> memref<100000x2048xf32, #tpu.memory_space<hbm>>
        tpu.wait_indirect_dma semaphore(%arg9 : memref<!tpu.dma_semaphore, #tpu.memory_space<semaphore_mem>>) src(%dma_wait3A_25 : memref<100000x2048xf32, #tpu.memory_space<hbm>>) dst(%arg8 : memref<16x2048xf32, #tpu.memory_space<vmem>>)
        %scan3A_26 = arith.constant 0 : i32
        %scan3A_27 = arith.constant 0 : i32
        %scan3A_28 = arith.constant 128 : i32
        %scan3A_29 = arith.addi %scan3A_27, %scan3A_28 : i32
        %scan3A_30 = arith.constant 1 : i32
        scf.for %scan3A_32 = %scan3A_27 to %scan3A_29 step %scan3A_30  : i32 {
          %mul3A_33 = arith.constant 16 : i32
          %mul3A_34 = arith.muli %scan3A_32, %mul3A_33 : i32
          %get3A = arith.constant 0 : i32
          %get3A_35 = arith.index_cast %get3A : i32 to index
          %get3A_36 = arith.index_cast %mul3A_34 : i32 to index
          %get3A_37 = tpu.vector_load %arg7[%get3A_35, %get3A_36] {strides = array<i32>} : memref<16x2048xf32, #tpu.memory_space<vmem>>, vector<1x16xf32>,
          %get3A_38 = vector.shape_cast %get3A_37 : vector<1x16xf32> to vector<16xf32>
          %mul3A_39 = arith.constant 16 : i32
          %mul3A_40 = arith.muli %scan3A_32, %mul3A_39 : i32
          %swap3A = arith.constant 0 : i32
          %swap3A_41 = arith.index_cast %swap3A : i32 to index
          %swap3A_42 = arith.index_cast %mul3A_40 : i32 to index
          %swap3A_43 = tpu.vector_load %arg8[%swap3A_41, %swap3A_42] {strides = array<i32>} : memref<16x2048xf32, #tpu.memory_space<vmem>>, vector<1x16xf32>,
          %swap3A_44 = vector.shape_cast %swap3A_43 : vector<1x16xf32> to vector<16xf32>
          %swap3A_45 = vector.shape_cast %get3A_38 : vector<16xf32> to vector<1x16xf32>
          tpu.vector_store %arg8[%swap3A_41, %swap3A_42], %swap3A_45 {add = true, strides = array<i32>} : memref<16x2048xf32, #tpu.memory_space<vmem>>, vector<1x16xf32>,
          %mul3A_46 = arith.constant 16 : i32
          %mul3A_47 = arith.muli %scan3A_32, %mul3A_46 : i32
          %get3A_48 = arith.constant 1 : i32
          %get3A_49 = arith.index_cast %get3A_48 : i32 to index
          %get3A_50 = arith.index_cast %mul3A_47 : i32 to index
          %get3A_51 = tpu.vector_load %arg7[%get3A_49, %get3A_50] {strides = array<i32>} : memref<16x2048xf32, #tpu.memory_space<vmem>>, vector<1x16xf32>,
          %get3A_52 = vector.shape_cast %get3A_51 : vector<1x16xf32> to vector<16xf32>
          %mul3A_53 = arith.constant 16 : i32
          %mul3A_54 = arith.muli %scan3A_32, %mul3A_53 : i32
          %swap3A_55 = arith.constant 1 : i32
          %swap3A_56 = arith.index_cast %swap3A_55 : i32 to index
          %swap3A_57 = arith.index_cast %mul3A_54 : i32 to index
          %swap3A_58 = tpu.vector_load %arg8[%swap3A_56, %swap3A_57] {strides = array<i32>} : memref<16x2048xf32, #tpu.memory_space<vmem>>, vector<1x16xf32>,
          %swap3A_59 = vector.shape_cast %swap3A_58 : vector<1x16xf32> to vector<16xf32>
          %swap3A_60 = vector.shape_cast %get3A_52 : vector<16xf32> to vector<1x16xf32>
          tpu.vector_store %arg8[%swap3A_56, %swap3A_57], %swap3A_60 {add = true, strides = array<i32>} : memref<16x2048xf32, #tpu.memory_space<vmem>>, vector<1x16xf32>,
          %mul3A_61 = arith.constant 16 : i32
          %mul3A_62 = arith.muli %scan3A_32, %mul3A_61 : i32
          %get3A_63 = arith.constant 2 : i32
          %get3A_64 = arith.index_cast %get3A_63 : i32 to index
          %get3A_65 = arith.index_cast %mul3A_62 : i32 to index
          %get3A_66 = tpu.vector_load %arg7[%get3A_64, %get3A_65] {strides = array<i32>} : memref<16x2048xf32, #tpu.memory_space<vmem>>, vector<1x16xf32>,
          %get3A_67 = vector.shape_cast %get3A_66 : vector<1x16xf32> to vector<16xf32>
          %mul3A_68 = arith.constant 16 : i32
          %mul3A_69 = arith.muli %scan3A_32, %mul3A_68 : i32
          %swap3A_70 = arith.constant 2 : i32
          %swap3A_71 = arith.index_cast %swap3A_70 : i32 to index
          %swap3A_72 = arith.index_cast %mul3A_69 : i32 to index
          %swap3A_73 = tpu.vector_load %arg8[%swap3A_71, %swap3A_72] {strides = array<i32>} : memref<16x2048xf32, #tpu.memory_space<vmem>>, vector<1x16xf32>,
          %swap3A_74 = vector.shape_cast %swap3A_73 : vector<1x16xf32> to vector<16xf32>
          %swap3A_75 = vector.shape_cast %get3A_67 : vector<16xf32> to vector<1x16xf32>
          tpu.vector_store %arg8[%swap3A_71, %swap3A_72], %swap3A_75 {add = true, strides = array<i32>} : memref<16x2048xf32, #tpu.memory_space<vmem>>, vector<1x16xf32>,
          %mul3A_76 = arith.constant 16 : i32
          %mul3A_77 = arith.muli %scan3A_32, %mul3A_76 : i32
          %get3A_78 = arith.constant 3 : i32
          %get3A_79 = arith.index_cast %get3A_78 : i32 to index
          %get3A_80 = arith.index_cast %mul3A_77 : i32 to index
          %get3A_81 = tpu.vector_load %arg7[%get3A_79, %get3A_80] {strides = array<i32>} : memref<16x2048xf32, #tpu.memory_space<vmem>>, vector<1x16xf32>,
          %get3A_82 = vector.shape_cast %get3A_81 : vector<1x16xf32> to vector<16xf32>
          %mul3A_83 = arith.constant 16 : i32
          %mul3A_84 = arith.muli %scan3A_32, %mul3A_83 : i32
          %swap3A_85 = arith.constant 3 : i32
          %swap3A_86 = arith.index_cast %swap3A_85 : i32 to index
          %swap3A_87 = arith.index_cast %mul3A_84 : i32 to index
          %swap3A_88 = tpu.vector_load %arg8[%swap3A_86, %swap3A_87] {strides = array<i32>} : memref<16x2048xf32, #tpu.memory_space<vmem>>, vector<1x16xf32>,
          %swap3A_89 = vector.shape_cast %swap3A_88 : vector<1x16xf32> to vector<16xf32>
          %swap3A_90 = vector.shape_cast %get3A_82 : vector<16xf32> to vector<1x16xf32>
          tpu.vector_store %arg8[%swap3A_86, %swap3A_87], %swap3A_90 {add = true, strides = array<i32>} : memref<16x2048xf32, #tpu.memory_space<vmem>>, vector<1x16xf32>,
          %mul3A_91 = arith.constant 16 : i32
          %mul3A_92 = arith.muli %scan3A_32, %mul3A_91 : i32
          %get3A_93 = arith.constant 4 : i32
          %get3A_94 = arith.index_cast %get3A_93 : i32 to index
          %get3A_95 = arith.index_cast %mul3A_92 : i32 to index
          %get3A_96 = tpu.vector_load %arg7[%get3A_94, %get3A_95] {strides = array<i32>} : memref<16x2048xf32, #tpu.memory_space<vmem>>, vector<1x16xf32>,
          %get3A_97 = vector.shape_cast %get3A_96 : vector<1x16xf32> to vector<16xf32>
          %mul3A_98 = arith.constant 16 : i32
          %mul3A_99 = arith.muli %scan3A_32, %mul3A_98 : i32
          %swap3A_100 = arith.constant 4 : i32
          %swap3A_101 = arith.index_cast %swap3A_100 : i32 to index
          %swap3A_102 = arith.index_cast %mul3A_99 : i32 to index
          %swap3A_103 = tpu.vector_load %arg8[%swap3A_101, %swap3A_102] {strides = array<i32>} : memref<16x2048xf32, #tpu.memory_space<vmem>>, vector<1x16xf32>,
          %swap3A_104 = vector.shape_cast %swap3A_103 : vector<1x16xf32> to vector<16xf32>
          %swap3A_105 = vector.shape_cast %get3A_97 : vector<16xf32> to vector<1x16xf32>
          tpu.vector_store %arg8[%swap3A_101, %swap3A_102], %swap3A_105 {add = true, strides = array<i32>} : memref<16x2048xf32, #tpu.memory_space<vmem>>, vector<1x16xf32>,
          %mul3A_106 = arith.constant 16 : i32
          %mul3A_107 = arith.muli %scan3A_32, %mul3A_106 : i32
          %get3A_108 = arith.constant 5 : i32
          %get3A_109 = arith.index_cast %get3A_108 : i32 to index
          %get3A_110 = arith.index_cast %mul3A_107 : i32 to index
          %get3A_111 = tpu.vector_load %arg7[%get3A_109, %get3A_110] {strides = array<i32>} : memref<16x2048xf32, #tpu.memory_space<vmem>>, vector<1x16xf32>,
          %get3A_112 = vector.shape_cast %get3A_111 : vector<1x16xf32> to vector<16xf32>
          %mul3A_113 = arith.constant 16 : i32
          %mul3A_114 = arith.muli %scan3A_32, %mul3A_113 : i32
          %swap3A_115 = arith.constant 5 : i32
          %swap3A_116 = arith.index_cast %swap3A_115 : i32 to index
          %swap3A_117 = arith.index_cast %mul3A_114 : i32 to index
          %swap3A_118 = tpu.vector_load %arg8[%swap3A_116, %swap3A_117] {strides = array<i32>} : memref<16x2048xf32, #tpu.memory_space<vmem>>, vector<1x16xf32>,
          %swap3A_119 = vector.shape_cast %swap3A_118 : vector<1x16xf32> to vector<16xf32>
          %swap3A_120 = vector.shape_cast %get3A_112 : vector<16xf32> to vector<1x16xf32>
          tpu.vector_store %arg8[%swap3A_116, %swap3A_117], %swap3A_120 {add = true, strides = array<i32>} : memref<16x2048xf32, #tpu.memory_space<vmem>>, vector<1x16xf32>,
          %mul3A_121 = arith.constant 16 : i32
          %mul3A_122 = arith.muli %scan3A_32, %mul3A_121 : i32
          %get3A_123 = arith.constant 6 : i32
          %get3A_124 = arith.index_cast %get3A_123 : i32 to index
          %get3A_125 = arith.index_cast %mul3A_122 : i32 to index
          %get3A_126 = tpu.vector_load %arg7[%get3A_124, %get3A_125] {strides = array<i32>} : memref<16x2048xf32, #tpu.memory_space<vmem>>, vector<1x16xf32>,
          %get3A_127 = vector.shape_cast %get3A_126 : vector<1x16xf32> to vector<16xf32>
          %mul3A_128 = arith.constant 16 : i32
          %mul3A_129 = arith.muli %scan3A_32, %mul3A_128 : i32
          %swap3A_130 = arith.constant 6 : i32
          %swap3A_131 = arith.index_cast %swap3A_130 : i32 to index
          %swap3A_132 = arith.index_cast %mul3A_129 : i32 to index
          %swap3A_133 = tpu.vector_load %arg8[%swap3A_131, %swap3A_132] {strides = array<i32>} : memref<16x2048xf32, #tpu.memory_space<vmem>>, vector<1x16xf32>,
          %swap3A_134 = vector.shape_cast %swap3A_133 : vector<1x16xf32> to vector<16xf32>
          %swap3A_135 = vector.shape_cast %get3A_127 : vector<16xf32> to vector<1x16xf32>
          tpu.vector_store %arg8[%swap3A_131, %swap3A_132], %swap3A_135 {add = true, strides = array<i32>} : memref<16x2048xf32, #tpu.memory_space<vmem>>, vector<1x16xf32>,
          %mul3A_136 = arith.constant 16 : i32
          %mul3A_137 = arith.muli %scan3A_32, %mul3A_136 : i32
          %get3A_138 = arith.constant 7 : i32
          %get3A_139 = arith.index_cast %get3A_138 : i32 to index
          %get3A_140 = arith.index_cast %mul3A_137 : i32 to index
          %get3A_141 = tpu.vector_load %arg7[%get3A_139, %get3A_140] {strides = array<i32>} : memref<16x2048xf32, #tpu.memory_space<vmem>>, vector<1x16xf32>,
          %get3A_142 = vector.shape_cast %get3A_141 : vector<1x16xf32> to vector<16xf32>
          %mul3A_143 = arith.constant 16 : i32
          %mul3A_144 = arith.muli %scan3A_32, %mul3A_143 : i32
          %swap3A_145 = arith.constant 7 : i32
          %swap3A_146 = arith.index_cast %swap3A_145 : i32 to index
          %swap3A_147 = arith.index_cast %mul3A_144 : i32 to index
          %swap3A_148 = tpu.vector_load %arg8[%swap3A_146, %swap3A_147] {strides = array<i32>} : memref<16x2048xf32, #tpu.memory_space<vmem>>, vector<1x16xf32>,
          %swap3A_149 = vector.shape_cast %swap3A_148 : vector<1x16xf32> to vector<16xf32>
          %swap3A_150 = vector.shape_cast %get3A_142 : vector<16xf32> to vector<1x16xf32>
          tpu.vector_store %arg8[%swap3A_146, %swap3A_147], %swap3A_150 {add = true, strides = array<i32>} : memref<16x2048xf32, #tpu.memory_space<vmem>>, vector<1x16xf32>,
          %mul3A_151 = arith.constant 16 : i32
          %mul3A_152 = arith.muli %scan3A_32, %mul3A_151 : i32
          %get3A_153 = arith.constant 8 : i32
          %get3A_154 = arith.index_cast %get3A_153 : i32 to index
          %get3A_155 = arith.index_cast %mul3A_152 : i32 to index
          %get3A_156 = tpu.vector_load %arg7[%get3A_154, %get3A_155] {strides = array<i32>} : memref<16x2048xf32, #tpu.memory_space<vmem>>, vector<1x16xf32>,
          %get3A_157 = vector.shape_cast %get3A_156 : vector<1x16xf32> to vector<16xf32>
          %mul3A_158 = arith.constant 16 : i32
          %mul3A_159 = arith.muli %scan3A_32, %mul3A_158 : i32
          %swap3A_160 = arith.constant 8 : i32
          %swap3A_161 = arith.index_cast %swap3A_160 : i32 to index
          %swap3A_162 = arith.index_cast %mul3A_159 : i32 to index
          %swap3A_163 = tpu.vector_load %arg8[%swap3A_161, %swap3A_162] {strides = array<i32>} : memref<16x2048xf32, #tpu.memory_space<vmem>>, vector<1x16xf32>,
          %swap3A_164 = vector.shape_cast %swap3A_163 : vector<1x16xf32> to vector<16xf32>
          %swap3A_165 = vector.shape_cast %get3A_157 : vector<16xf32> to vector<1x16xf32>
          tpu.vector_store %arg8[%swap3A_161, %swap3A_162], %swap3A_165 {add = true, strides = array<i32>} : memref<16x2048xf32, #tpu.memory_space<vmem>>, vector<1x16xf32>,
          %mul3A_166 = arith.constant 16 : i32
          %mul3A_167 = arith.muli %scan3A_32, %mul3A_166 : i32
          %get3A_168 = arith.constant 9 : i32
          %get3A_169 = arith.index_cast %get3A_168 : i32 to index
          %get3A_170 = arith.index_cast %mul3A_167 : i32 to index
          %get3A_171 = tpu.vector_load %arg7[%get3A_169, %get3A_170] {strides = array<i32>} : memref<16x2048xf32, #tpu.memory_space<vmem>>, vector<1x16xf32>,
          %get3A_172 = vector.shape_cast %get3A_171 : vector<1x16xf32> to vector<16xf32>
          %mul3A_173 = arith.constant 16 : i32
          %mul3A_174 = arith.muli %scan3A_32, %mul3A_173 : i32
          %swap3A_175 = arith.constant 9 : i32
          %swap3A_176 = arith.index_cast %swap3A_175 : i32 to index
          %swap3A_177 = arith.index_cast %mul3A_174 : i32 to index
          %swap3A_178 = tpu.vector_load %arg8[%swap3A_176, %swap3A_177] {strides = array<i32>} : memref<16x2048xf32, #tpu.memory_space<vmem>>, vector<1x16xf32>,
          %swap3A_179 = vector.shape_cast %swap3A_178 : vector<1x16xf32> to vector<16xf32>
          %swap3A_180 = vector.shape_cast %get3A_172 : vector<16xf32> to vector<1x16xf32>
          tpu.vector_store %arg8[%swap3A_176, %swap3A_177], %swap3A_180 {add = true, strides = array<i32>} : memref<16x2048xf32, #tpu.memory_space<vmem>>, vector<1x16xf32>,
          %mul3A_181 = arith.constant 16 : i32
          %mul3A_182 = arith.muli %scan3A_32, %mul3A_181 : i32
          %get3A_183 = arith.constant 10 : i32
          %get3A_184 = arith.index_cast %get3A_183 : i32 to index
          %get3A_185 = arith.index_cast %mul3A_182 : i32 to index
          %get3A_186 = tpu.vector_load %arg7[%get3A_184, %get3A_185] {strides = array<i32>} : memref<16x2048xf32, #tpu.memory_space<vmem>>, vector<1x16xf32>,
          %get3A_187 = vector.shape_cast %get3A_186 : vector<1x16xf32> to vector<16xf32>
          %mul3A_188 = arith.constant 16 : i32
          %mul3A_189 = arith.muli %scan3A_32, %mul3A_188 : i32
          %swap3A_190 = arith.constant 10 : i32
          %swap3A_191 = arith.index_cast %swap3A_190 : i32 to index
          %swap3A_192 = arith.index_cast %mul3A_189 : i32 to index
          %swap3A_193 = tpu.vector_load %arg8[%swap3A_191, %swap3A_192] {strides = array<i32>} : memref<16x2048xf32, #tpu.memory_space<vmem>>, vector<1x16xf32>,
          %swap3A_194 = vector.shape_cast %swap3A_193 : vector<1x16xf32> to vector<16xf32>
          %swap3A_195 = vector.shape_cast %get3A_187 : vector<16xf32> to vector<1x16xf32>
          tpu.vector_store %arg8[%swap3A_191, %swap3A_192], %swap3A_195 {add = true, strides = array<i32>} : memref<16x2048xf32, #tpu.memory_space<vmem>>, vector<1x16xf32>,
          %mul3A_196 = arith.constant 16 : i32
          %mul3A_197 = arith.muli %scan3A_32, %mul3A_196 : i32
          %get3A_198 = arith.constant 11 : i32
          %get3A_199 = arith.index_cast %get3A_198 : i32 to index
          %get3A_200 = arith.index_cast %mul3A_197 : i32 to index
          %get3A_201 = tpu.vector_load %arg7[%get3A_199, %get3A_200] {strides = array<i32>} : memref<16x2048xf32, #tpu.memory_space<vmem>>, vector<1x16xf32>,
          %get3A_202 = vector.shape_cast %get3A_201 : vector<1x16xf32> to vector<16xf32>
          %mul3A_203 = arith.constant 16 : i32
          %mul3A_204 = arith.muli %scan3A_32, %mul3A_203 : i32
          %swap3A_205 = arith.constant 11 : i32
          %swap3A_206 = arith.index_cast %swap3A_205 : i32 to index
          %swap3A_207 = arith.index_cast %mul3A_204 : i32 to index
          %swap3A_208 = tpu.vector_load %arg8[%swap3A_206, %swap3A_207] {strides = array<i32>} : memref<16x2048xf32, #tpu.memory_space<vmem>>, vector<1x16xf32>,
          %swap3A_209 = vector.shape_cast %swap3A_208 : vector<1x16xf32> to vector<16xf32>
          %swap3A_210 = vector.shape_cast %get3A_202 : vector<16xf32> to vector<1x16xf32>
          tpu.vector_store %arg8[%swap3A_206, %swap3A_207], %swap3A_210 {add = true, strides = array<i32>} : memref<16x2048xf32, #tpu.memory_space<vmem>>, vector<1x16xf32>,
          %mul3A_211 = arith.constant 16 : i32
          %mul3A_212 = arith.muli %scan3A_32, %mul3A_211 : i32
          %get3A_213 = arith.constant 12 : i32
          %get3A_214 = arith.index_cast %get3A_213 : i32 to index
          %get3A_215 = arith.index_cast %mul3A_212 : i32 to index
          %get3A_216 = tpu.vector_load %arg7[%get3A_214, %get3A_215] {strides = array<i32>} : memref<16x2048xf32, #tpu.memory_space<vmem>>, vector<1x16xf32>,
          %get3A_217 = vector.shape_cast %get3A_216 : vector<1x16xf32> to vector<16xf32>
          %mul3A_218 = arith.constant 16 : i32
          %mul3A_219 = arith.muli %scan3A_32, %mul3A_218 : i32
          %swap3A_220 = arith.constant 12 : i32
          %swap3A_221 = arith.index_cast %swap3A_220 : i32 to index
          %swap3A_222 = arith.index_cast %mul3A_219 : i32 to index
          %swap3A_223 = tpu.vector_load %arg8[%swap3A_221, %swap3A_222] {strides = array<i32>} : memref<16x2048xf32, #tpu.memory_space<vmem>>, vector<1x16xf32>,
          %swap3A_224 = vector.shape_cast %swap3A_223 : vector<1x16xf32> to vector<16xf32>
          %swap3A_225 = vector.shape_cast %get3A_217 : vector<16xf32> to vector<1x16xf32>
          tpu.vector_store %arg8[%swap3A_221, %swap3A_222], %swap3A_225 {add = true, strides = array<i32>} : memref<16x2048xf32, #tpu.memory_space<vmem>>, vector<1x16xf32>,
          %mul3A_226 = arith.constant 16 : i32
          %mul3A_227 = arith.muli %scan3A_32, %mul3A_226 : i32
          %get3A_228 = arith.constant 13 : i32
          %get3A_229 = arith.index_cast %get3A_228 : i32 to index
          %get3A_230 = arith.index_cast %mul3A_227 : i32 to index
          %get3A_231 = tpu.vector_load %arg7[%get3A_229, %get3A_230] {strides = array<i32>} : memref<16x2048xf32, #tpu.memory_space<vmem>>, vector<1x16xf32>,
          %get3A_232 = vector.shape_cast %get3A_231 : vector<1x16xf32> to vector<16xf32>
          %mul3A_233 = arith.constant 16 : i32
          %mul3A_234 = arith.muli %scan3A_32, %mul3A_233 : i32
          %swap3A_235 = arith.constant 13 : i32
          %swap3A_236 = arith.index_cast %swap3A_235 : i32 to index
          %swap3A_237 = arith.index_cast %mul3A_234 : i32 to index
          %swap3A_238 = tpu.vector_load %arg8[%swap3A_236, %swap3A_237] {strides = array<i32>} : memref<16x2048xf32, #tpu.memory_space<vmem>>, vector<1x16xf32>,
          %swap3A_239 = vector.shape_cast %swap3A_238 : vector<1x16xf32> to vector<16xf32>
          %swap3A_240 = vector.shape_cast %get3A_232 : vector<16xf32> to vector<1x16xf32>
          tpu.vector_store %arg8[%swap3A_236, %swap3A_237], %swap3A_240 {add = true, strides = array<i32>} : memref<16x2048xf32, #tpu.memory_space<vmem>>, vector<1x16xf32>,
          %mul3A_241 = arith.constant 16 : i32
          %mul3A_242 = arith.muli %scan3A_32, %mul3A_241 : i32
          %get3A_243 = arith.constant 14 : i32
          %get3A_244 = arith.index_cast %get3A_243 : i32 to index
          %get3A_245 = arith.index_cast %mul3A_242 : i32 to index
          %get3A_246 = tpu.vector_load %arg7[%get3A_244, %get3A_245] {strides = array<i32>} : memref<16x2048xf32, #tpu.memory_space<vmem>>, vector<1x16xf32>,
          %get3A_247 = vector.shape_cast %get3A_246 : vector<1x16xf32> to vector<16xf32>
          %mul3A_248 = arith.constant 16 : i32
          %mul3A_249 = arith.muli %scan3A_32, %mul3A_248 : i32
          %swap3A_250 = arith.constant 14 : i32
          %swap3A_251 = arith.index_cast %swap3A_250 : i32 to index
          %swap3A_252 = arith.index_cast %mul3A_249 : i32 to index
          %swap3A_253 = tpu.vector_load %arg8[%swap3A_251, %swap3A_252] {strides = array<i32>} : memref<16x2048xf32, #tpu.memory_space<vmem>>, vector<1x16xf32>,
          %swap3A_254 = vector.shape_cast %swap3A_253 : vector<1x16xf32> to vector<16xf32>
          %swap3A_255 = vector.shape_cast %get3A_247 : vector<16xf32> to vector<1x16xf32>
          tpu.vector_store %arg8[%swap3A_251, %swap3A_252], %swap3A_255 {add = true, strides = array<i32>} : memref<16x2048xf32, #tpu.memory_space<vmem>>, vector<1x16xf32>,
          %mul3A_256 = arith.constant 16 : i32
          %mul3A_257 = arith.muli %scan3A_32, %mul3A_256 : i32
          %get3A_258 = arith.constant 15 : i32
          %get3A_259 = arith.index_cast %get3A_258 : i32 to index
          %get3A_260 = arith.index_cast %mul3A_257 : i32 to index
          %get3A_261 = tpu.vector_load %arg7[%get3A_259, %get3A_260] {strides = array<i32>} : memref<16x2048xf32, #tpu.memory_space<vmem>>, vector<1x16xf32>,
          %get3A_262 = vector.shape_cast %get3A_261 : vector<1x16xf32> to vector<16xf32>
          %mul3A_263 = arith.constant 16 : i32
          %mul3A_264 = arith.muli %scan3A_32, %mul3A_263 : i32
          %swap3A_265 = arith.constant 15 : i32
          %swap3A_266 = arith.index_cast %swap3A_265 : i32 to index
          %swap3A_267 = arith.index_cast %mul3A_264 : i32 to index
          %swap3A_268 = tpu.vector_load %arg8[%swap3A_266, %swap3A_267] {strides = array<i32>} : memref<16x2048xf32, #tpu.memory_space<vmem>>, vector<1x16xf32>,
          %swap3A_269 = vector.shape_cast %swap3A_268 : vector<1x16xf32> to vector<16xf32>
          %swap3A_270 = vector.shape_cast %get3A_262 : vector<16xf32> to vector<1x16xf32>
          tpu.vector_store %arg8[%swap3A_266, %swap3A_267], %swap3A_270 {add = true, strides = array<i32>} : memref<16x2048xf32, #tpu.memory_space<vmem>>, vector<1x16xf32>,
        }
        %scan3A_31 = arith.constant 128 : i32
        "tpu.region"() ({
          %run_scoped3A = tpu.sem_alloc : memref<!tpu.dma_semaphore, #tpu.memory_space<semaphore_mem>>
          %dma_start3A_32 = arith.constant 0 : i32
          %dma_start3A_33 = tpu.memref_slice %arg5[%add3A_21, %dma_start3A_32] : memref<16384x2048xf32, #tpu.memory_space<hbm>> -> memref<16x2048xf32, #tpu.memory_space<hbm>>
          %dma_start3A_34 = arith.constant 0 : i32
          %dma_start3A_35 = tpu.memref_slice %arg5[%add3A_21, %dma_start3A_34] : memref<16384x2048xf32, #tpu.memory_space<hbm>> -> memref<16x2048xf32, #tpu.memory_space<hbm>>
          tpu.enqueue_dma source(%arg8 : memref<16x2048xf32, #tpu.memory_space<vmem>>) target(%dma_start3A_35 : memref<16x2048xf32, #tpu.memory_space<hbm>>) target_semaphore(%run_scoped3A : memref<!tpu.dma_semaphore, #tpu.memory_space<semaphore_mem>>)
          %dma_wait3A_36 = arith.constant 0 : i32
          %dma_wait3A_37 = tpu.memref_slice %arg5[%add3A_21, %dma_wait3A_36] : memref<16384x2048xf32, #tpu.memory_space<hbm>> -> memref<16x2048xf32, #tpu.memory_space<hbm>>
          %dma_wait3A_38 = arith.constant 0 : i32
          %dma_wait3A_39 = tpu.memref_slice %arg5[%add3A_21, %dma_wait3A_38] : memref<16384x2048xf32, #tpu.memory_space<hbm>> -> memref<16x2048xf32, #tpu.memory_space<hbm>>
          tpu.wait_dma2 semaphore(%run_scoped3A : memref<!tpu.dma_semaphore, #tpu.memory_space<semaphore_mem>>) src(%arg8 : memref<16x2048xf32, #tpu.memory_space<vmem>>) dst(%dma_wait3A_39 : memref<16x2048xf32, #tpu.memory_space<hbm>>)
          tpu.yield
        }) : () -> ()
      }
      %scan3A_17 = arith.constant 4 : i32
    }
    %scan3A_7 = arith.constant 8 : i32
    return
  }
}

</mosaic_0001>

<sc_bundles>
// kernel: kernel.3.cloned.1.call-start
scs
__scs_entry_jumppad:
0x0: {  	(pc) =	sbr.rel $0x88, $3  }
0x1: {  	(tag) =	ssettag $0x0;
	lr =	simm.s32 $0x1  }
0x2: {  	[smem:$0x3F9E] =	sst lr;
	_ =	strace $0xD0000000  }
0x3: {  	_ = 	snop  }
0x4: {  	_ = 	snop  }
0x5: {  	_ = 	snop  }
0x6: {  	_ = 	snop  }
0x7: {  	_ = 	snop  }
__scs_overlays_trampoline_lowered:
0x8: {  	[smem:$0x3FAD] =	sst s0  }
0x9: {  	[smem:$0x3FAE] =	sst s1  }
0xa: {  	[smem:$0x3FAF] =	sst s2  }
0xb: {  	[smem:$0x3FB0] =	sst s3  }
0xc: {  	[smem:$0x3FB1] =	sst s4  }
0xd: {  	[smem:$0x3FB2] =	sst s5  }
0xe: {  	[smem:$0x3FB3] =	sst s6  }
0xf: {  	[smem:$0x3FB4] =	sst s7  }
0x10: {  	[smem:$0x3FB5] =	sst s8  }
0x11: {  	[smem:$0x3FB6] =	sst s9;
	s0 =	simm.s32 @!p0 $0x0  }
0x12: {  	s1 =	sld [smem:$0x3F9C];
	s0 =	simm.s32 @p0 $0x1  }
0x13: {  	[smem:$0x3FB7] =	sst s0;
	s0 =	simm.s32 @!p1 $0x0  }
0x14: {  	s2 =	sld [smem:$0x3F9B];
	s0 =	simm.s32 @p1 $0x1  }
0x15: {  	[smem:$0x3FB8] =	sst s0;
	s0 =	simm.s32 @!p2 $0x0  }
0x16: {  	s3 =	sld [smem:$0x3FDB];
	s0 =	simm.s32 @p2 $0x1  }
0x17: {  	s4 =	simm.s32 $0x1BF5;
	[smem:$0x3FBA] =	sst s0  }
0x18: {  	s0 =	sld [smem:$0x3F9D];
	_ =	swait.ge [sflag:s4], $0x0  }
0x19: {  	s7 =	sld [smem:$0x3F9E]  }
0x1a: {  	s8 =	sadd.s32 $0xFFFFE003, lr  }
0x1b: {  	s9 =	sadd.s32 $0xFFFFFEF7, lr;
	s5 =	simm.s32 $0xFFFFFFFF;
	p2 =	slt.u32 s8, $0xFFFFF086  }
0x1c: {  	p1 =	slt.u32 s9, $0xF7A;
	s5 =	simm.s32 @!p2 $0x0  }
0x1d: {  	s5 =	simm.s32 @p1 $0x1;
	p0 =	seq.s32 s7, s2  }
0x1e: {  	s7 =	smul.u32 @!p0 $0xF7A, s2;
	p2 =	seq.s32 @!p0 s5, $0x0  }
0x1f: {  	s9 =	smul.u32 $0xF7A, s1;
	s8 =	simm.s32 @!p0 $0x1BF5;
	p2 =	por !p2, p0  }
0x20: {  	[sflag:s8] =	ssyncset.s32 @!p0 $0xFFFFF086;
	s6 =	sadd.s32 @!p0 s3, s7;
	s7 =	simm.s32 @!p0 $0x108  }
0x21: {  	s3 =	sadd.s32 s3, s9;
	s6 =	sadd.s32 @!p0 $0x88, s6;
	s7 =	simm.s32 @p2 $0x1082  }
0x22: {  	[simem:s7], [sflag:s8] =	dma.local @!p0 [hbm:s6], $0xF7A  }
0x23: {  	s9 =	sor.u32 $0xD0000000, s2;
	s6 =	simm.s32 $0x108;
	_ =	swait.ge @!p0 [sflag:s8], $0x0  }
0x24: {  	s3 =	sadd.s32 $0x88, s3;
	s6 =	simm.s32 @!p1 $0x1082;
	[sflag:s4] =	ssyncset.s32 $0xFFFFF086  }
0x25: {  	[simem:s6], [sflag:s4] =	dma.local [hbm:s3], $0xF7A  }
0x26: {  	[smem:$0x3F9E] =	sst s1;
	(tag) =	ssettag s2;
	_ =	strace s9  }
0x27: {  	s1 =	sld [smem:$0x3FAE]  }
0x28: {  	s2 =	sld [smem:$0x3FAF]  }
0x29: {  	s4 =	sld [smem:$0x3FB1]  }
0x2a: {  	p0 =	seq.s32 s5, $0x0;
	s5 =	sld [smem:$0x3FB2]  }
0x2b: {  	s6 =	sld [smem:$0x3FB3]  }
0x2c: {  	s7 =	sld [smem:$0x3FB4]  }
0x2d: {  	s3 =	simm.s32 $0x108;
	s8 =	sld [smem:$0x3FB5]  }
0x2e: {  	s3 =	simm.s32 @!p0 $0x1082;
	s9 =	sld [smem:$0x3FB6]  }
0x2f: {  	lr =	sadd.s32 s0, s3;
	s0 =	sld [smem:$0x3FAD]  }
0x30: {  	s3 =	sld [smem:$0x3FB0]  }
0x31: {  	[smem:$0x3FB9] =	sst s10  }
0x32: {  	s10 =	sld [smem:$0x3FB7];
	_ =	sdelay $0x3  }
0x33: {  	p0 =	seq.s32 s10, $0x1;
	s10 =	sld [smem:$0x3FB9];
	_ =	sdelay $0x3  }
0x34: {  	[smem:$0x3FB9] =	sst s10  }
0x35: {  	s10 =	sld [smem:$0x3FB8];
	_ =	sdelay $0x3  }
0x36: {  	p1 =	seq.s32 s10, $0x1;
	s10 =	sld [smem:$0x3FB9];
	_ =	sdelay $0x3  }
0x37: {  	[smem:$0x3FB9] =	sst s10  }
0x38: {  	s10 =	sld [smem:$0x3FBA]  }
0x39: {  	_ = 	snop;
	(pc) =	sbr.ind lr, $3  }
0x3a: {  	_ = 	snop  }
0x3b: {  	_ = 	snop  }
0x3c: {  	p2 =	seq.s32 s10, $0x1;
	s10 =	sld [smem:$0x3FB9]  }
0x3d: {  	_ =	shalt  }
0x3e: {  	_ =	shalt  }
0x3f: {  	_ =	shalt  }
0x40: {  	_ =	shalt  }
0x41: {  	_ =	shalt  }
0x42: {  	_ =	shalt  }
0x43: {  	_ =	shalt  }
0x44: {  	_ =	shalt  }
0x45: {  	_ =	shalt  }
0x46: {  	_ =	shalt  }
0x47: {  	_ =	shalt  }
0x48: {  	_ =	shalt  }
0x49: {  	_ =	shalt  }
0x4a: {  	_ =	shalt  }
0x4b: {  	_ =	shalt  }
0x4c: {  	_ =	shalt  }
0x4d: {  	_ =	shalt  }
0x4e: {  	_ =	shalt  }
0x4f: {  	_ =	shalt  }
0x50: {  	_ =	shalt  }
0x51: {  	_ =	shalt  }
0x52: {  	_ =	shalt  }
0x53: {  	_ =	shalt  }
0x54: {  	_ =	shalt  }
0x55: {  	_ =	shalt  }
0x56: {  	_ =	shalt  }
0x57: {  	_ =	shalt  }
0x58: {  	_ =	shalt  }
0x59: {  	_ =	shalt  }
0x5a: {  	_ =	shalt  }
0x5b: {  	_ =	shalt  }
0x5c: {  	_ =	shalt  }
0x5d: {  	_ =	shalt  }
0x5e: {  	_ =	shalt  }
0x5f: {  	_ =	shalt  }
0x60: {  	_ =	shalt  }
0x61: {  	_ =	shalt  }
0x62: {  	_ =	shalt  }
0x63: {  	_ =	shalt  }
0x64: {  	_ =	shalt  }
0x65: {  	_ =	shalt  }
0x66: {  	_ =	shalt  }
0x67: {  	_ =	shalt  }
0x68: {  	_ =	shalt  }
0x69: {  	_ =	shalt  }
0x6a: {  	_ =	shalt  }
0x6b: {  	_ =	shalt  }
0x6c: {  	_ =	shalt  }
0x6d: {  	_ =	shalt  }
0x6e: {  	_ =	shalt  }
0x6f: {  	_ =	shalt  }
0x70: {  	_ =	shalt  }
0x71: {  	_ =	shalt  }
0x72: {  	_ =	shalt  }
0x73: {  	_ =	shalt  }
0x74: {  	_ =	shalt  }
0x75: {  	_ =	shalt  }
0x76: {  	_ =	shalt  }
0x77: {  	_ =	shalt  }
0x78: {  	_ =	shalt  }
0x79: {  	_ =	shalt  }
0x7a: {  	_ =	shalt  }
0x7b: {  	_ =	shalt  }
0x7c: {  	_ =	shalt  }
0x7d: {  	_ =	shalt  }
0x7e: {  	_ =	shalt  }
0x7f: {  	_ =	shalt  }
0x80: {  	_ =	shalt  }
0x81: {  	_ =	shalt  }
0x82: {  	_ =	shalt  }
0x83: {  	_ =	shalt  }
0x84: {  	_ =	shalt  }
0x85: {  	_ =	shalt  }
0x86: {  	_ =	shalt  }
0x87: {  	_ =	shalt  }
.Lfunc_end0:
.L_simem_size_0:
called_computation_lowered:
.L_overlay_start_0:
0x88: {  	s2 =	sld [smem:$0x3FD9]  }
0x89: {  	s3 =	sld [smem:$0x3FFE];
	_ =	sdelay $0x1  }
0x8a: {  	s1 =	srdreg.scid  }
0x8b: {  	s0 =	sand.u32 $0x1, s1  }
0x8c: {  	s17 =	sshll.u32 s0, $0xA;
	s2 =	sadd.s32 s3, s2  }
0x8d: {  	s2 =	sadd.s32 s2, s17  }
0x8e: {  	[smem:$0x3FC5] =	sst s2  }
0x8f: {  	_ = 	snop  }
0x90: {  	s2 =	sld [smem:$0x3FC8]  }
0x91: {  	s18 =	sld [smem:$0x3FC7]  }
0x92: {  	s4 =	sld [smem:$0x3FD0];
	(tm) =	ssettm $0x1  }
0x93: {  	s5 =	sld [smem:$0x3FFB];
	_ =	sdelay $0x3  }
0x94: {  	_ =	strace s5  }
0x95: {  	s5 =	sld [smem:$0x3FFC];
	_ =	sdelay $0x3  }
0x96: {  	_ =	strace s5  }
0x97: {  	s5 =	sld [smem:$0x3FFD];
	_ =	sdelay $0x3  }
0x98: {  	_ =	strace s5  }
0x99: {  	_ =	strace $0x8FFFFFFF  }
0x9a: {  	s19 =	sld [smem:$0x3FDB];
	_ =	sdelay $0x1  }
0x9b: {  	s6 =	simm.s32 $_scs_section_size  }
0x9c: {  	s7 =	simm.s32 $_size__tile_overlayer_lowered;
	s8 =	simm.s32 $_tile_overlayer_lowered  }
0x9d: {  	s22 =	simm.s32 $0x1BFF;
	s21 =	sshll.u32 s8, $0x1;
	s5 =	sadd.s32 s6, s19  }
0x9e: {  	s9 =	simm.s32 $0x0;
	s20 =	sshll.u32 s7, $0x1;
	s7 =	sadd.s32 s21, s5  }
0x9f: {  	[timem:s9], [sflag:s22] =	dma.local [hbm:s7], s20  }
0xa0: {  	_ =	swait.ge [sflag:s22], s20  }
0xa1: {  	s6 =	ssub.s32 $0x0, s20;
	[sflag:s22] =	ssyncset.done $0x0  }
0xa2: {  	[sflag:s22] =	ssyncadd.s32 s6;
	_ =	sdelay $0x1  }
0xa3: {  	s23 =	simm.s32 $0x1B8B  }
0xa4: {  	_ =	swait.ge [sflag:s23], $0x1  }
0xa5: {  	[sflag:s23] =	ssyncset.done $0x0  }
0xa6: {  	s25 =	simm.s32 $0x1B8E;
	s24 =	sld [smem:$0x3FFE];
	[sflag:s23] =	ssyncadd.s32 $0xFFFFFFFF  }
0xa7: {  	s26 =	simm.s32 $execute0_lowered;
	[smem:$0x3FD2] =	sst s25  }
0xa8: {  	s7 =	sshll.u32 s26, $0x1;
	_ =	strace $0x80000046;
	[dreg:$0x1] =	wrdreg $0xFFFFFFFF  }
0xa9: {  	s28 =	simm.s32 $_size_execute0_lowered;
	s5 =	sadd.s32 s5, s7;
	[dreg:$0x0] =	wrdreg $0x0  }
0xaa: {  	s7 =	sshll.u32 s28, $0x1;
	[dreg:$0x2] =	wrdreg s5  }
0xab: {  	[dreg:$0x3] =	wrdreg s7  }
0xac: {  	[dreg:$0x4] =	wrdreg $0xC0  }
0xad: {  	_ =	task [dreg:s9], $0x5FFFF  }
0xae: {  	[dreg:$0x1] =	wrdreg $0xFFFFFFFF  }
0xaf: {  	[dreg:$0x0] =	wrdreg $0x60  }
0xb0: {  	[dreg:$0x2] =	wrdreg s24  }
0xb1: {  	[dreg:$0x3] =	wrdreg s2  }
0xb2: {  	[dreg:$0x4] =	wrdreg s18  }
0xb3: {  	[dreg:$0x5] =	wrdreg s4  }
0xb4: {  	[dreg:$0x6] =	wrdreg $0x9  }
0xb5: {  	_ =	task.clear_ibuf [dreg:s9], $0x7FFFF;
	_ =	strace $0x90000046  }
0xb6: {  	s29 =	simm.s32 $0x9;
	_ =	strace $0x80000048  }
0xb7: {  	_ =	swait.ge [sflag:s29], $0x1  }
0xb8: {  	[sflag:s29] =	ssyncadd.s32 $0xFFFFFFFF  }
0xb9: {  	_ =	strace $0x90000048  }
0xba: {  	_ =	sfence  }
0xbb: {  	s30 =	sld [smem:$0x0];
	_ =	sdelay $0x2  }
0xbc: {  	s31 =	sshll.u32 s1, $0xD;
	s1 =	sshrl.u32 s1, $0x2  }
0xbd: {  	s3 =	sand.u32 $0x4000, s31;
	s1 =	sadd.s32 s1, s30  }
0xbe: {  	s0 =	sor.u32 s3, s0;
	s1 =	sshll.u32 s1, $0x11  }
0xbf: {  	s0 =	sor.u32 s1, s0  }
0xc0: {  	s0 =	sadd.s32 $0x8F2B, s0  }
0xc1: {  	[sflag:s0] =	ssyncadd.remote.s32 $0x1  }
0xc2: {  	_ =	sfence.sel $0xFFFF  }
0xc3: {  	[dreg:$0x0] =	wrdreg $0xFFFFFFFF;
	(pc) =	sbr.abs _section_cstart, $3  }
0xc4: {  	[dreg:$0x1] =	wrdreg $0xFFFFFFFF  }
0xc5: {  	_ =	task.clear_ibuf [dreg:s9], $0x2FFFF;
	_ =	strace $0x9FFFFFFF  }
0xc6: {  	(tm) =	ssettm $0x7FFFFFFF  }
0xc7: {  	_ =	shalt  }
tec
execute0_lowered:
.L_overlay_start_1:
0x0: {  	(tag) =	ssettag $0x1  }
0x1: {  	s0 =	rddreg [dreg:$0x0]  }
0x2: {  	s1 =	rddreg [dreg:$0x1];
	s2 =	simm.s32 $0x0  }
0x3: {  	s25 =	srdreg.scid;
	s4 =	stileid.u32;
	s17 =	simm.s32 $0x2  }
0x4: {  	s18 =	simm.s32 $0x8080;
	s28 =	simm.s32 $0xC880;
	s29 =	simm.s32 $0xD080  }
0x5: {  	s30 =	simm.s32 $0xD880;
	s31 =	simm.s32 $0xE080;
	s5 =	simm.s32 $0xF080  }
0x6: {  	s15 =	simm.s32 $0xF880;
	s16 =	simm.s32 $0x0;
	[smem:$0x7FF] =	sst s2  }
0x7: {  	s2 =	sand.u32 $0x1, s25;
	s6 =	sadd.s32 $0x400, s0;
	s4 =	sshll.u32 s4, $0x8  }
0x8: {  	s8 =	sadd.s32 $0x100, s1;
	s9 =	sadd.s32 $0x200, s1;
	s10 =	sadd.s32 $0x300, s1  }
0x9: {  	s11 =	sadd.s32 $0x400, s1;
	s12 =	sadd.s32 $0x500, s1;
	s13 =	sadd.s32 $0x600, s1  }
0xa: {  	s14 =	sadd.s32 $0x700, s1;
	s25 =	simm.s32 $0xB880;
	s26 =	ssub.s32 $0x2, s2  }
0xb: {  	_ =	strace $0x80000047;
	s2 =	sshll.u32 s2, $0x7;
	s3 =	sshrl.u32 s26, $0x1  }
0xc: {  	v2 =	vlaneseq.u32;
	s2 =	sor.u32 s2, s4;
	s4 =	simm.s32 $0x0;
	s0 =	ssub.s32 s26, s3  }
0xd: {  	vm0 =	vmmov $0xffff;
	v1 =	vshrl.u32 v2, $0x3;
	[dreg:$0x5] =	wrdreg s2;
	s26 =	simm.s32 $0xC080;
	s0 =	smax.u32 s0, $0x1  }
0xe: {  	v0 =	vand.u32 $0x7, v2;
	v2 =	vor.u32 $0x8, v2;
	v1 =	vmul.u32 $0x8, v1;
	s2 =	simm.s32 $0x1;
	[dreg:$0x6] =	wrdreg s0;
	s0 =	simm.s32 $0xE880  }
.LBB2_1:
0xf: {  	[dreg:$0x7] =	wrdreg s4;
	s3 =	simm.s32 $0x0  }
.LBB2_2:
0x10: {  	s22 =	sshll.u32 s3, $0x4;
	s4 =	rddreg [dreg:$0x5]  }
0x11: {  	[dreg:$0x8] =	wrdreg s3;
	s7 =	sadd.s32 s4, s22  }
0x12: {  	s23 =	rddreg [dreg:$0x2];
	s3 =	sshll.u32 s7, $0x8  }
0x13: {  	s24 =	simm.s32 $0x80;
	s3 =	sadd.s32 s23, s3  }
0x14: {  	[tilespmem:s24], [sflag:$0x2] =	stream.linear.gather [hbm4b:s3+s16], $0x8000, $0x38;
	[tilespmem:$0x10080] =	vst v63  }
0x15: {  	_ =	swait.ge [sflag:s17], $0x8000  }
0x16: {  	[sflag:s17] =	ssyncset.done $0x0  }
0x17: {  	s3 =	simm.s32 $0x0;
	[sflag:s17] =	ssyncadd.s32 $0xFFFF8000  }
.LBB2_3:
0x18: {  	s4 =	sshll.u32 s3, $0xC  }
0x19: {  	s4 =	sadd.s32 s7, s4  }
0x1a: {  	s19 =	sshrl.u32 s4, $0x3  }
0x1b: {  	s19 =	sadd.s32 s6, s19  }
0x1c: {  	[tilespmem:s16], [sflag:$0x2] =	stream.linear.gather [hbm4b:s19+s16], $0x10, $0x38;
	[tilespmem:$0x10080] =	vst v63  }
0x1d: {  	_ =	swait.ge [sflag:s17], $0x10  }
0x1e: {  	[sflag:s17] =	ssyncset.done $0x0  }
0x1f: {  	[sflag:s17] =	ssyncadd.s32 $0xFFFFFFF0  }
0x20: {  	v3 =	vld [tilespmem:$0x0];
	_ =	sdelay $0x4  }
0x21: {  	v4 =	vshll.u32 v3, $0x4  }
0x22: {  	v3 =	vand.u32 $0x7, v3;
	v4 =	vand.u32 $0xFFFFFF80, v4  }
0x23: {  	v3 =	vor.u32 v3, v4  }
0x24: {  	v4 =	vperm.xlane v3, v0;
	_ =	sdelay $0x1  }
0x25: {  	v4 =	vadd.s32 v1, v4;
	_ =	sdelay $0x4  }
0x26: {  	[tilespmem:s18], [sflag:$0x1] =	stream.indirect_vreg.gather [hbm4b:s1+s16], $0x80, v4, vm0, $0xb8;
	[tilespmem:$0x10080] =	vst v63  }
0x27: {  	s23 =	simm.s32 $0x8880  }
0x28: {  	[tilespmem:s23], [sflag:$0x1] =	stream.indirect_vreg.gather [hbm4b:s8+s16], $0x80, v4, vm0, $0xb8;
	[tilespmem:$0x10080] =	vst v63  }
0x29: {  	s24 =	simm.s32 $0x9080  }
0x2a: {  	[tilespmem:s24], [sflag:$0x1] =	stream.indirect_vreg.gather [hbm4b:s9+s16], $0x80, v4, vm0, $0xb8;
	[tilespmem:$0x10080] =	vst v63  }
0x2b: {  	s20 =	simm.s32 $0x9880  }
0x2c: {  	[tilespmem:s20], [sflag:$0x1] =	stream.indirect_vreg.gather [hbm4b:s10+s16], $0x80, v4, vm0, $0xb8;
	[tilespmem:$0x10080] =	vst v63  }
0x2d: {  	s21 =	simm.s32 $0xA080  }
0x2e: {  	[tilespmem:s21], [sflag:$0x1] =	stream.indirect_vreg.gather [hbm4b:s11+s16], $0x80, v4, vm0, $0xb8;
	[tilespmem:$0x10080] =	vst v63  }
0x2f: {  	s22 =	simm.s32 $0xA880;
	v3 =	vperm.xlane v3, v2  }
0x30: {  	[tilespmem:s22], [sflag:$0x1] =	stream.indirect_vreg.gather [hbm4b:s12+s16], $0x80, v4, vm0, $0xb8;
	[tilespmem:$0x10080] =	vst v63  }
0x31: {  	v3 =	vadd.s32 v1, v3;
	s23 =	simm.s32 $0xB080  }
0x32: {  	[tilespmem:s23], [sflag:$0x1] =	stream.indirect_vreg.gather [hbm4b:s13+s16], $0x80, v4, vm0, $0xb8;
	[tilespmem:$0x10080] =	vst v63  }
0x33: {  	_ = 	snop  }
0x34: {  	[tilespmem:s25], [sflag:$0x1] =	stream.indirect_vreg.gather [hbm4b:s14+s16], $0x80, v4, vm0, $0xb8;
	[tilespmem:$0x10080] =	vst v63  }
0x35: {  	_ = 	snop  }
0x36: {  	[tilespmem:s26], [sflag:$0x1] =	stream.indirect_vreg.gather [hbm4b:s1+s16], $0x80, v3, vm0, $0xb8;
	[tilespmem:$0x10080] =	vst v63  }
0x37: {  	_ = 	snop  }
0x38: {  	[tilespmem:s28], [sflag:$0x1] =	stream.indirect_vreg.gather [hbm4b:s8+s16], $0x80, v3, vm0, $0xb8;
	[tilespmem:$0x10080] =	vst v63  }
0x39: {  	_ = 	snop  }
0x3a: {  	[tilespmem:s29], [sflag:$0x1] =	stream.indirect_vreg.gather [hbm4b:s9+s16], $0x80, v3, vm0, $0xb8;
	[tilespmem:$0x10080] =	vst v63  }
0x3b: {  	_ = 	snop  }
0x3c: {  	[tilespmem:s30], [sflag:$0x1] =	stream.indirect_vreg.gather [hbm4b:s10+s16], $0x80, v3, vm0, $0xb8;
	[tilespmem:$0x10080] =	vst v63  }
0x3d: {  	_ = 	snop  }
0x3e: {  	[tilespmem:s31], [sflag:$0x1] =	stream.indirect_vreg.gather [hbm4b:s11+s16], $0x80, v3, vm0, $0xb8;
	[tilespmem:$0x10080] =	vst v63  }
0x3f: {  	_ = 	snop  }
0x40: {  	[tilespmem:s0], [sflag:$0x1] =	stream.indirect_vreg.gather [hbm4b:s12+s16], $0x80, v3, vm0, $0xb8;
	[tilespmem:$0x10080] =	vst v63  }
0x41: {  	_ = 	snop  }
0x42: {  	[tilespmem:s5], [sflag:$0x1] =	stream.indirect_vreg.gather [hbm4b:s13+s16], $0x80, v3, vm0, $0xb8;
	[tilespmem:$0x10080] =	vst v63  }
0x43: {  	_ = 	snop  }
0x44: {  	[tilespmem:s15], [sflag:$0x1] =	stream.indirect_vreg.gather [hbm4b:s14+s16], $0x80, v3, vm0, $0xb8;
	[tilespmem:$0x10080] =	vst v63  }
0x45: {  	_ =	swait.ge [sflag:s2], $0x8000  }
0x46: {  	s24 =	sand.u32 $0x70, s16;
	s20 =	sand.u32 $0x3C00, s16;
	[sflag:s2] =	ssyncset.done $0x0  }
0x47: {  	s19 =	sor.u32 s24, s20;
	[sflag:s2] =	ssyncadd.s32 $0xFFFF8000  }
0x48: {  	v3 =	vld [tilespmem:s19+$0x80];
	_ =	sdelay $0x3  }
0x49: {  	s20 =	sor.u32 $0x8080, s19  }
0x4a: {  	[tilespmem:s20+$0x0] =	vst.add.f32.msk $0xffff, v3  }
0x4b: {  	v3 =	vld [tilespmem:s19+$0x100];
	_ =	sdelay $0x3  }
0x4c: {  	s21 =	sor.u32 $0x8100, s19  }
0x4d: {  	[tilespmem:s21+$0x0] =	vst.add.f32.msk $0xffff, v3  }
0x4e: {  	v3 =	vld [tilespmem:s19+$0x180];
	_ =	sdelay $0x3  }
0x4f: {  	s22 =	sor.u32 $0x8180, s19  }
0x50: {  	[tilespmem:s22+$0x0] =	vst.add.f32.msk $0xffff, v3  }
0x51: {  	v3 =	vld [tilespmem:s19+$0x200];
	_ =	sdelay $0x3  }
0x52: {  	s23 =	sor.u32 $0x8200, s19  }
0x53: {  	[tilespmem:s23+$0x0] =	vst.add.f32.msk $0xffff, v3  }
0x54: {  	v3 =	vld [tilespmem:s19+$0x280];
	_ =	sdelay $0x3  }
0x55: {  	s24 =	sor.u32 $0x8280, s19  }
0x56: {  	[tilespmem:s24+$0x0] =	vst.add.f32.msk $0xffff, v3  }
0x57: {  	v3 =	vld [tilespmem:s19+$0x300];
	_ =	sdelay $0x3  }
0x58: {  	s21 =	sor.u32 $0x8300, s19  }
0x59: {  	[tilespmem:s21+$0x0] =	vst.add.f32.msk $0xffff, v3  }
0x5a: {  	v3 =	vld [tilespmem:s19+$0x380];
	_ =	sdelay $0x1  }
0x5b: {  	s22 =	sand.u32 $0x7, s16  }
0x5c: {  	s20 =	sshll.u32 s22, $0x4  }
0x5d: {  	s20 =	sadd.s32 $0x0, s20;
	s21 =	sor.u32 $0x8380, s19  }
0x5e: {  	s23 =	sor.u32 $0x380, s20;
	[tilespmem:s21+$0x0] =	vst.add.f32.msk $0xffff, v3  }
0x5f: {  	v3 =	vld [tilespmem:s23+$0x80];
	_ =	sdelay $0x4  }
0x60: {  	[tilespmem:s23+$0x8080] =	vst.add.f32.msk $0xffff, v3  }
0x61: {  	v3 =	vld [tilespmem:s19+$0x4080];
	_ =	sdelay $0x3  }
0x62: {  	s24 =	sor.u32 $0xC080, s19  }
0x63: {  	[tilespmem:s24+$0x0] =	vst.add.f32.msk $0xffff, v3  }
0x64: {  	v3 =	vld [tilespmem:s19+$0x4100];
	_ =	sdelay $0x3  }
0x65: {  	s22 =	sor.u32 $0xC100, s19  }
0x66: {  	[tilespmem:s22+$0x0] =	vst.add.f32.msk $0xffff, v3  }
0x67: {  	v3 =	vld [tilespmem:s19+$0x4180];
	_ =	sdelay $0x3  }
0x68: {  	s23 =	sor.u32 $0xC180, s19  }
0x69: {  	[tilespmem:s23+$0x0] =	vst.add.f32.msk $0xffff, v3  }
0x6a: {  	v3 =	vld [tilespmem:s19+$0x4200];
	_ =	sdelay $0x3  }
0x6b: {  	s24 =	sor.u32 $0xC200, s19  }
0x6c: {  	[tilespmem:s24+$0x0] =	vst.add.f32.msk $0xffff, v3  }
0x6d: {  	v3 =	vld [tilespmem:s19+$0x4280];
	_ =	sdelay $0x3  }
0x6e: {  	s22 =	sor.u32 $0xC280, s19  }
0x6f: {  	[tilespmem:s22+$0x0] =	vst.add.f32.msk $0xffff, v3  }
0x70: {  	v3 =	vld [tilespmem:s19+$0x4300];
	_ =	sdelay $0x3  }
0x71: {  	s23 =	sor.u32 $0xC300, s19  }
0x72: {  	[tilespmem:s23+$0x0] =	vst.add.f32.msk $0xffff, v3  }
0x73: {  	v3 =	vld [tilespmem:s19+$0x4380];
	_ =	sdelay $0x3  }
0x74: {  	s19 =	sor.u32 $0xC380, s19  }
0x75: {  	s23 =	sor.u32 $0x4380, s20;
	[tilespmem:s19+$0x0] =	vst.add.f32.msk $0xffff, v3  }
0x76: {  	v3 =	vld [tilespmem:s23+$0x80];
	_ =	sdelay $0x2  }
0x77: {  	s21 =	simm.s32 $0x20;
	s24 =	simm.s32 $0x10;
	s19 =	simm.s32 $0x80  }
0x78: {  	s22 =	sand.u32 $0x70, s24;
	s20 =	simm.s32 $0x0;
	s24 =	sand.u32 $0x3C00, s19  }
.LBB2_4:
0x79: {  	p0 =	sne.s32 s21, $0x7F0;
	s22 =	sor.u32 s22, s24;
	[tilespmem:s23+$0x8080] =	vst.add.f32.msk $0xffff, v3  }
0x7a: {  	v3 =	vld [tilespmem:s22+$0x80];
	_ =	sdelay $0x3  }
0x7b: {  	s23 =	sor.u32 $0x8080, s22  }
0x7c: {  	[tilespmem:s23+$0x0] =	vst.add.f32.msk $0xffff, v3  }
0x7d: {  	v3 =	vld [tilespmem:s22+$0x100];
	_ =	sdelay $0x3  }
0x7e: {  	s23 =	sor.u32 $0x8100, s22  }
0x7f: {  	[tilespmem:s23+$0x0] =	vst.add.f32.msk $0xffff, v3  }
0x80: {  	v3 =	vld [tilespmem:s22+$0x180];
	_ =	sdelay $0x3  }
0x81: {  	s23 =	sor.u32 $0x8180, s22  }
0x82: {  	[tilespmem:s23+$0x0] =	vst.add.f32.msk $0xffff, v3  }
0x83: {  	v3 =	vld [tilespmem:s22+$0x200];
	_ =	sdelay $0x3  }
0x84: {  	s23 =	sor.u32 $0x8200, s22  }
0x85: {  	[tilespmem:s23+$0x0] =	vst.add.f32.msk $0xffff, v3  }
0x86: {  	v3 =	vld [tilespmem:s22+$0x280];
	_ =	sdelay $0x3  }
0x87: {  	s23 =	sor.u32 $0x8280, s22  }
0x88: {  	[tilespmem:s23+$0x0] =	vst.add.f32.msk $0xffff, v3  }
0x89: {  	v3 =	vld [tilespmem:s22+$0x300];
	_ =	sdelay $0x3  }
0x8a: {  	s23 =	sor.u32 $0x8300, s22  }
0x8b: {  	[tilespmem:s23+$0x0] =	vst.add.f32.msk $0xffff, v3  }
0x8c: {  	v3 =	vld [tilespmem:s22+$0x380]  }
0x8d: {  	s20 =	sadd.s32 $0x1, s20  }
0x8e: {  	s23 =	sand.u32 $0x7, s20  }
0x8f: {  	s23 =	sshll.u32 s23, $0x4  }
0x90: {  	s24 =	sor.u32 $0x8380, s22;
	s23 =	sadd.s32 s23, s19  }
0x91: {  	[tilespmem:s24+$0x0] =	vst.add.f32.msk $0xffff, v3;
	s24 =	sor.u32 $0x380, s23  }
0x92: {  	v3 =	vld [tilespmem:s24+$0x80];
	_ =	sdelay $0x4  }
0x93: {  	[tilespmem:s24+$0x8080] =	vst.add.f32.msk $0xffff, v3  }
0x94: {  	v3 =	vld [tilespmem:s22+$0x4080];
	_ =	sdelay $0x3  }
0x95: {  	s24 =	sor.u32 $0xC080, s22  }
0x96: {  	[tilespmem:s24+$0x0] =	vst.add.f32.msk $0xffff, v3  }
0x97: {  	v3 =	vld [tilespmem:s22+$0x4100];
	_ =	sdelay $0x3  }
0x98: {  	s24 =	sor.u32 $0xC100, s22  }
0x99: {  	[tilespmem:s24+$0x0] =	vst.add.f32.msk $0xffff, v3  }
0x9a: {  	v3 =	vld [tilespmem:s22+$0x4180];
	_ =	sdelay $0x3  }
0x9b: {  	s24 =	sor.u32 $0xC180, s22  }
0x9c: {  	[tilespmem:s24+$0x0] =	vst.add.f32.msk $0xffff, v3  }
0x9d: {  	v3 =	vld [tilespmem:s22+$0x4200];
	_ =	sdelay $0x3  }
0x9e: {  	s24 =	sor.u32 $0xC200, s22  }
0x9f: {  	[tilespmem:s24+$0x0] =	vst.add.f32.msk $0xffff, v3  }
0xa0: {  	v3 =	vld [tilespmem:s22+$0x4280];
	_ =	sdelay $0x3  }
0xa1: {  	s24 =	sor.u32 $0xC280, s22  }
0xa2: {  	[tilespmem:s24+$0x0] =	vst.add.f32.msk $0xffff, v3  }
0xa3: {  	v3 =	vld [tilespmem:s22+$0x4300];
	_ =	sdelay $0x3  }
0xa4: {  	s24 =	sor.u32 $0xC300, s22  }
0xa5: {  	[tilespmem:s24+$0x0] =	vst.add.f32.msk $0xffff, v3  }
0xa6: {  	v3 =	vld [tilespmem:s22+$0x4380];
	_ =	sdelay $0x3  }
0xa7: {  	s22 =	sor.u32 $0xC380, s22  }
0xa8: {  	s23 =	sor.u32 $0x4380, s23;
	[tilespmem:s22+$0x0] =	vst.add.f32.msk $0xffff, v3  }
.Ltmp0:
0xa9: {  	v3 =	vld [tilespmem:s23+$0x80];
	(pc) =	sbr.rel @p0 .LBB2_4-.Ltmp0, $3  }
0xaa: {  	_ =	sdelay $0x1  }
0xab: {  	s19 =	sadd.s32 $0x80, s19  }
0xac: {  	s24 =	sand.u32 $0x3C00, s19;
	s22 =	sand.u32 $0x70, s21;
	s21 =	sadd.s32 $0x10, s21  }
0xad: {  	s21 =	sor.u32 s22, s24;
	[tilespmem:s23+$0x8080] =	vst.add.f32.msk $0xffff, v3  }
0xae: {  	v3 =	vld [tilespmem:s21+$0x80];
	_ =	sdelay $0x3  }
0xaf: {  	s22 =	sor.u32 $0x8080, s21  }
0xb0: {  	[tilespmem:s22+$0x0] =	vst.add.f32.msk $0xffff, v3  }
0xb1: {  	v3 =	vld [tilespmem:s21+$0x100];
	_ =	sdelay $0x3  }
0xb2: {  	s24 =	sor.u32 $0x8100, s21  }
0xb3: {  	[tilespmem:s24+$0x0] =	vst.add.f32.msk $0xffff, v3  }
0xb4: {  	v3 =	vld [tilespmem:s21+$0x180];
	_ =	sdelay $0x3  }
0xb5: {  	s23 =	sor.u32 $0x8180, s21  }
0xb6: {  	[tilespmem:s23+$0x0] =	vst.add.f32.msk $0xffff, v3  }
0xb7: {  	v3 =	vld [tilespmem:s21+$0x200];
	_ =	sdelay $0x3  }
0xb8: {  	s24 =	sor.u32 $0x8200, s21  }
0xb9: {  	[tilespmem:s24+$0x0] =	vst.add.f32.msk $0xffff, v3  }
0xba: {  	v3 =	vld [tilespmem:s21+$0x280];
	_ =	sdelay $0x3  }
0xbb: {  	s23 =	sor.u32 $0x8280, s21  }
0xbc: {  	[tilespmem:s23+$0x0] =	vst.add.f32.msk $0xffff, v3  }
0xbd: {  	v3 =	vld [tilespmem:s21+$0x300];
	_ =	sdelay $0x3  }
0xbe: {  	s24 =	sor.u32 $0x8300, s21  }
0xbf: {  	[tilespmem:s24+$0x0] =	vst.add.f32.msk $0xffff, v3  }
0xc0: {  	v3 =	vld [tilespmem:s21+$0x380]  }
0xc1: {  	s20 =	sadd.s32 $0x1, s20  }
0xc2: {  	s20 =	sand.u32 $0x7, s20  }
0xc3: {  	s20 =	sshll.u32 s20, $0x4  }
0xc4: {  	s19 =	sadd.s32 s20, s19;
	s23 =	sor.u32 $0x8380, s21  }
0xc5: {  	s24 =	sor.u32 $0x380, s19;
	[tilespmem:s23+$0x0] =	vst.add.f32.msk $0xffff, v3  }
0xc6: {  	v3 =	vld [tilespmem:s24+$0x80];
	_ =	sdelay $0x4  }
0xc7: {  	[tilespmem:s24+$0x8080] =	vst.add.f32.msk $0xffff, v3  }
0xc8: {  	v3 =	vld [tilespmem:s21+$0x4080];
	_ =	sdelay $0x3  }
0xc9: {  	s22 =	sor.u32 $0xC080, s21  }
0xca: {  	[tilespmem:s22+$0x0] =	vst.add.f32.msk $0xffff, v3  }
0xcb: {  	v3 =	vld [tilespmem:s21+$0x4100];
	_ =	sdelay $0x3  }
0xcc: {  	s23 =	sor.u32 $0xC100, s21  }
0xcd: {  	[tilespmem:s23+$0x0] =	vst.add.f32.msk $0xffff, v3  }
0xce: {  	v3 =	vld [tilespmem:s21+$0x4180];
	_ =	sdelay $0x3  }
0xcf: {  	s24 =	sor.u32 $0xC180, s21  }
0xd0: {  	[tilespmem:s24+$0x0] =	vst.add.f32.msk $0xffff, v3  }
0xd1: {  	v3 =	vld [tilespmem:s21+$0x4200];
	_ =	sdelay $0x3  }
0xd2: {  	s22 =	sor.u32 $0xC200, s21  }
0xd3: {  	[tilespmem:s22+$0x0] =	vst.add.f32.msk $0xffff, v3  }
0xd4: {  	v3 =	vld [tilespmem:s21+$0x4280];
	_ =	sdelay $0x3  }
0xd5: {  	s23 =	sor.u32 $0xC280, s21  }
0xd6: {  	[tilespmem:s23+$0x0] =	vst.add.f32.msk $0xffff, v3  }
0xd7: {  	v3 =	vld [tilespmem:s21+$0x4300];
	_ =	sdelay $0x3  }
0xd8: {  	s24 =	sor.u32 $0xC300, s21  }
0xd9: {  	[tilespmem:s24+$0x0] =	vst.add.f32.msk $0xffff, v3  }
0xda: {  	v3 =	vld [tilespmem:s21+$0x4380];
	_ =	sdelay $0x3  }
0xdb: {  	s22 =	sor.u32 $0xC380, s21  }
0xdc: {  	s19 =	sor.u32 $0x4380, s19;
	[tilespmem:s22+$0x0] =	vst.add.f32.msk $0xffff, v3  }
0xdd: {  	v3 =	vld [tilespmem:s19+$0x80];
	_ =	sdelay $0x2  }
0xde: {  	s3 =	sadd.s32 $0x1, s3  }
0xdf: {  	s4 =	sshll.u32 s4, $0x8;
	p0 =	sne.s32 s3, $0x4;
	s23 =	rddreg [dreg:$0x3]  }
.Ltmp1:
0xe0: {  	s4 =	sadd.s32 s23, s4;
	s24 =	simm.s32 $0x0;
	[tilespmem:s19+$0x8080] =	vst.add.f32.msk $0xffff, v3;
	(pc) =	sbr.rel @p0 .LBB2_3-.Ltmp1, $4  }
0xe1: {  	[hbm4b:s4+s24] =	stream.linear.scatter [tilespmem:s18], [sflag:$0x2], $0x8000, $0x38;
	[tilespmem:$0x10080] =	vst v63  }
0xe2: {  	_ =	swait.ge [sflag:s17], $0x8000  }
0xe3: {  	[sflag:s17] =	ssyncset.done $0x0  }
0xe4: {  	[sflag:s17] =	ssyncadd.s32 $0xFFFF8000  }
0xe5: {  	s3 =	rddreg [dreg:$0x8]  }
0xe6: {  	s3 =	sadd.s32 $0x1, s3  }
0xe7: {  	p0 =	sne.s32 s3, $0x8  }
.Ltmp2:
0xe8: {  	_ = 	snop;
	(pc) =	sbr.rel @p0 .LBB2_2-.Ltmp2, $1  }
0xe9: {  	_ =	sdelay $0x3  }
0xea: {  	s4 =	rddreg [dreg:$0x7]  }
0xeb: {  	s3 =	rddreg [dreg:$0x6];
	s4 =	sadd.s32 $0x1, s4  }
0xec: {  	p0 =	sne.s32 s4, s3  }
.Ltmp3:
0xed: {  	_ = 	snop;
	(pc) =	sbr.rel @p0 .LBB2_1-.Ltmp3, $1  }
0xee: {  	_ =	sdelay $0x3  }
0xef: {  	_ =	sfence.sel $0x180000  }
0xf0: {  	[bflag:$0x0] =	sbarrier.arrive $0xFFFF  }
0xf1: {  	_ =	strace $0x90000047  }
0xf2: {  	s0 =	stileid.u32;
	[bflag:$0x2] =	sbarrier.arrive $0xFFFF  }
0xf3: {  	p0 =	sne.s32 s0, $0x0;
	s0 =	rddreg [dreg:$0x4]  }
0xf4: {  	s0 =	sadd.s32 @!p0 $0x100000, s0  }
0xf5: {  	[sflag:s0] =	ssyncadd.tile.s32 @!p0 $0x1;
	_ =	shalt  }
.Lfunc_end2:
_tile_overlayer_lowered:
.L_overlay_start_2:
0xf6: {  	(tag) =	ssettag $0x2  }
0xf7: {  	s0 =	rddreg [dreg:$0x0];
	s2 =	stileid.u32  }
0xf8: {  	s1 =	rddreg [dreg:$0x1];
	p0 =	sne.s32 s2, $0x0  }
0xf9: {  	s3 =	rddreg [dreg:$0x2];
	[bflag:$0x3] =	sbarrier.arrive $0xFFFF;
	s2 =	simm.s32 @!p0 $0x1C02  }
0xfa: {  	[timem:s3], [sflag:s2] =	dma.local @!p0 [hbm:s0], s1  }
0xfb: {  	s0 =	simm.s32 @!p0 $0x2  }
0xfc: {  	_ =	swait.ge @!p0 [sflag:s0], s1  }
0xfd: {  	s1 =	ssub.s32 @!p0 $0x0, s1;
	[sflag:s0] =	ssyncset.done @!p0 $0x0  }
0xfe: {  	[sflag:s0] =	ssyncadd.s32 @!p0 s1  }
0xff: {  	[bflag:$0x3] =	sbarrier.arrive $0xFFFF  }
0x100: {  	_ =	shalt  }

</sc_bundles>
